<compile_context>
chip_gen: v7x
topology: tpu7x:2x2x1
jax: 0.10.2.dev20260603
libtpu: 0.0.44.dev20260713+nightly
codegen_flags: <defaults>
</compile_context>

<pallas_src>
import functools

import jax
import jax.numpy as jnp
from jax import lax
from jax.experimental import pallas as pl
from jax.experimental.pallas import tpu as pltpu
from jax.experimental.pallas import tpu_sc as plsc

_NC = 2
_NS = 16
_NW = _NC * _NS
_CHUNK = 128

_MP_TIMES = 3
_STEPS = 3



def _sc_mesh():
    return plsc.VectorSubcoreMesh(core_axis_name="c", subcore_axis_name="s",
                                  num_cores=_NC, num_subcores=_NS)


@functools.partial(jax.jit, static_argnums=(2,))
def _sc_gather(idx_r, table, e_pad):
    n, d = table.shape
    ew = e_pad // _NW
    ch = ew // _CHUNK

    @functools.partial(
        pl.kernel,
        mesh=_sc_mesh(),
        compiler_params=pltpu.CompilerParams(use_tc_tiling_on_sc=False),
        out_type=jax.ShapeDtypeStruct((e_pad, d), jnp.bfloat16),
        scratch_types=[
            pltpu.VMEM((ch, _CHUNK), jnp.int32),
            pltpu.VMEM((_CHUNK, d), jnp.bfloat16),
            pltpu.VMEM((_CHUNK, d), jnp.bfloat16),
            pltpu.SemaphoreType.DMA,
            pltpu.SemaphoreType.DMA,
        ],
    )
    def gather(idx_hbm, tab_hbm, xs_hbm, idxv, buf0, buf1, sem0, sem1):
        w = lax.axis_index("s") * _NC + lax.axis_index("c")
        base = w * ew
        pltpu.sync_copy(idx_hbm.at[w], idxv)
        pltpu.async_copy(tab_hbm.at[idxv.at[0]], buf0, sem0)

        @pl.loop(0, ch // 2)
        def _(i):
            j = i * 2
            pltpu.async_copy(tab_hbm.at[idxv.at[j + 1]], buf1, sem1)
            pltpu.make_async_copy(tab_hbm.at[idxv.at[j]], buf0, sem0).wait()
            pltpu.sync_copy(buf0, xs_hbm.at[pl.ds(base + j * _CHUNK, _CHUNK)])

            @pl.when(i < ch // 2 - 1)
            def _():
                pltpu.async_copy(tab_hbm.at[idxv.at[j + 2]], buf0, sem0)

            pltpu.make_async_copy(tab_hbm.at[idxv.at[j + 1]], buf1, sem1).wait()
            pltpu.sync_copy(
                buf1, xs_hbm.at[pl.ds(base + (j + 1) * _CHUNK, _CHUNK)])

    return gather(idx_r, table)


@functools.partial(jax.jit, static_argnums=(3,))
def _sc_scatter_add(idx_f, vals, zeros_nd, n):
    e_pad, d = vals.shape
    ew = e_pad // _NW
    ch = ew // _CHUNK
    rpt = n // _NS

    @functools.partial(
        pl.kernel,
        mesh=_sc_mesh(),
        compiler_params=pltpu.CompilerParams(use_tc_tiling_on_sc=False),
        out_type=jax.ShapeDtypeStruct((_NC * n, d), jnp.float32),
        scratch_types=[
            pltpu.VMEM((_CHUNK,), jnp.int32),
            pltpu.VMEM((_CHUNK,), jnp.int32),
            pltpu.VMEM((_CHUNK, d), jnp.float32),
            pltpu.VMEM((_CHUNK, d), jnp.float32),
            pltpu.VMEM_SHARED((n, d), jnp.float32),
            pltpu.SemaphoreType.DMA,
            pltpu.SemaphoreType.DMA,
        ],
    )
    def scatter(idx_hbm, val_hbm, zer_hbm, out_hbm, idx0, idx1, buf0, buf1,
                acc, sem0, sem1):
        cid = lax.axis_index("c")
        sid = lax.axis_index("s")
        w = sid * _NC + cid
        base = w * ew
        r0 = sid * rpt
        pltpu.sync_copy(zer_hbm.at[pl.ds(r0, rpt)], acc.at[pl.ds(r0, rpt)])
        plsc.subcore_barrier()

        @pl.loop(0, ch // 2)
        def _(i):
            j = i * 2

            @pl.when(i > 0)
            def _():
                pltpu.make_async_copy(buf0, acc.at[idx0], sem0).wait()
            pltpu.sync_copy(idx_hbm.at[pl.ds(base + j * _CHUNK, _CHUNK)], idx0)
            pltpu.sync_copy(val_hbm.at[pl.ds(base + j * _CHUNK, _CHUNK)], buf0)
            pltpu.async_copy(buf0, acc.at[idx0], sem0, add=True)

            @pl.when(i > 0)
            def _():
                pltpu.make_async_copy(buf1, acc.at[idx1], sem1).wait()
            pltpu.sync_copy(
                idx_hbm.at[pl.ds(base + (j + 1) * _CHUNK, _CHUNK)], idx1)
            pltpu.sync_copy(
                val_hbm.at[pl.ds(base + (j + 1) * _CHUNK, _CHUNK)], buf1)
            pltpu.async_copy(buf1, acc.at[idx1], sem1, add=True)

        pltpu.make_async_copy(buf0, acc.at[idx0], sem0).wait()
        pltpu.make_async_copy(buf1, acc.at[idx1], sem1).wait()
        plsc.subcore_barrier()
        pltpu.sync_copy(acc.at[pl.ds(r0, rpt)],
                        out_hbm.at[pl.ds(cid * n + r0, rpt)])

    return scatter(idx_f, vals, zeros_nd)



def _lin_relu2_body(x_ref, w_ref, b_ref, o_ref, ob_ref):
    r = jnp.maximum(
        jnp.dot(x_ref[...], w_ref[...], preferred_element_type=jnp.float32)
        + b_ref[...], 0.0)
    o_ref[...] = r
    ob_ref[...] = r.astype(jnp.bfloat16)


def _tc_lin_relu2(xx, w, b):
    n, dc = xx.shape[0], w.shape[1]
    return pl.pallas_call(
        _lin_relu2_body,
        out_shape=[jax.ShapeDtypeStruct((n, dc), jnp.float32),
                   jax.ShapeDtypeStruct((n, dc), jnp.bfloat16)],
    )(xx, w, b.reshape(1, -1))


def _hidden_body(x_ref, w_ref, b_ref, o_ref):
    o_ref[...] = jnp.maximum(
        jnp.dot(x_ref[...], w_ref[...], preferred_element_type=jnp.float32)
        + b_ref[...], 0.0).astype(jnp.bfloat16)


def _tc_hidden(ea_p, we1, be1, blk=8192):
    e_pad = ea_p.shape[0]
    din, dh = we1.shape
    return pl.pallas_call(
        _hidden_body,
        grid=(e_pad // blk,),
        in_specs=[
            pl.BlockSpec((blk, din), lambda i: (i, 0)),
            pl.BlockSpec((din, dh), lambda i: (0, 0)),
            pl.BlockSpec((1, dh), lambda i: (0, 0)),
        ],
        out_specs=pl.BlockSpec((blk, dh), lambda i: (i, 0)),
        out_shape=jax.ShapeDtypeStruct((e_pad, dh), jnp.bfloat16),
    )(ea_p, we1, be1.reshape(1, -1))


def _msg_body(e_total, blk, hb_ref, xs_ref, w2_ref, bmat_ref, rexp_ref,
              rsum_ref, o_ref):
    ewb = jnp.dot(hb_ref[...], w2_ref[...],
                  preferred_element_type=jnp.float32)
    xse = jnp.dot(xs_ref[...], rexp_ref[...],
                  preferred_element_type=jnp.float32)
    acc = (jnp.dot((ewb * xse).astype(jnp.bfloat16), rsum_ref[...],
                   preferred_element_type=jnp.float32)
           + jnp.dot(xs_ref[...], bmat_ref[...],
                     preferred_element_type=jnp.float32))
    rid = pl.program_id(0) * blk + lax.broadcasted_iota(jnp.int32, (blk, 1), 0)
    o_ref[...] = jnp.where(rid < e_total, acc, 0.0)


def _tc_msg(hidden, xs, we2, bmat, rexp, rsum, e_total, blk=2048):
    e_pad = hidden.shape[0]
    dh = hidden.shape[1]
    dc = xs.shape[1]
    return pl.pallas_call(
        functools.partial(_msg_body, e_total, blk),
        grid=(e_pad // blk,),
        in_specs=[
            pl.BlockSpec((blk, dh), lambda i: (i, 0)),
            pl.BlockSpec((blk, dc), lambda i: (i, 0)),
            pl.BlockSpec((dh, dc * dc), lambda i: (0, 0)),
            pl.BlockSpec((dc, dc), lambda i: (0, 0)),
            pl.BlockSpec((dc, dc * dc), lambda i: (0, 0)),
            pl.BlockSpec((dc * dc, dc), lambda i: (0, 0)),
        ],
        out_specs=pl.BlockSpec((blk, dc), lambda i: (i, 0)),
        out_shape=jax.ShapeDtypeStruct((e_pad, dc), jnp.float32),
    )(hidden, xs, we2, bmat, rexp, rsum)


def _update_body(n, dc, s_ref, aggp_ref, aggq_ref, degp_ref, wr_ref, bc_ref,
                 wih_ref, whh_ref, bih_ref, bhh_ref, o_ref, ob_ref):
    s = s_ref[...]
    aggp = aggp_ref[...]
    aggq = aggq_ref[...]
    degp = degp_ref[...]
    agg = (aggp[0:n] + aggp[n:]) + (aggq[0:n] + aggq[n:])
    deg = jnp.maximum(degp[0:n, 0:1] + degp[n:, 0:1], 1.0)
    m = jnp.maximum(
        jnp.dot(s, wr_ref[...], preferred_element_type=jnp.float32)
        + agg / deg + bc_ref[...], 0.0)
    gi = lax.dot_general(m, wih_ref[...], (((1,), (1,)), ((), ())),
                         preferred_element_type=jnp.float32) + bih_ref[...]
    gh = lax.dot_general(s, whh_ref[...], (((1,), (1,)), ((), ())),
                         preferred_element_type=jnp.float32) + bhh_ref[...]
    r = jax.nn.sigmoid(gi[:, 0:dc] + gh[:, 0:dc])
    z = jax.nn.sigmoid(gi[:, dc:2 * dc] + gh[:, dc:2 * dc])
    ng = jnp.tanh(gi[:, 2 * dc:3 * dc] + r * gh[:, 2 * dc:3 * dc])
    s_new = (1.0 - z) * ng + z * s
    o_ref[...] = s_new
    ob_ref[...] = s_new.astype(jnp.bfloat16)


def _tc_update(s, aggp, aggq, degp, wroot, bconv, gwih, gwhh, gbih, gbhh):
    n, dc = s.shape
    return pl.pallas_call(
        functools.partial(_update_body, n, dc),
        out_shape=[jax.ShapeDtypeStruct((n, dc), jnp.float32),
                   jax.ShapeDtypeStruct((n, dc), jnp.bfloat16)],
    )(s, aggp, aggq, degp, wroot, bconv.reshape(1, -1), gwih, gwhh,
      gbih.reshape(1, -1), gbhh.reshape(1, -1))


def _set2set_body(steps, ngr, n, dc, s_ref, batch_ref, ga_ref,
                  wih_ref, whh_ref, bih_ref, bhh_ref,
                  w1_ref, b1_ref, w2_ref, b2_ref, o_ref):
    s = s_ref[...]
    br = batch_ref[...]
    gidx = lax.broadcasted_iota(jnp.int32, (ngr, n), 0)
    msk = gidx == br
    qh = jnp.zeros((ngr, dc), jnp.float32)
    qc = jnp.zeros((ngr, dc), jnp.float32)
    q_star = jnp.zeros((ngr, 2 * dc), jnp.float32)
    for _ in range(steps):
        gates = (
            lax.dot_general(q_star, wih_ref[...], (((1,), (1,)), ((), ())),
                            preferred_element_type=jnp.float32)
            + bih_ref[...]
            + lax.dot_general(qh, whh_ref[...], (((1,), (1,)), ((), ())),
                              preferred_element_type=jnp.float32)
            + bhh_ref[...])
        ig = jax.nn.sigmoid(gates[:, 0:dc])
        fg = jax.nn.sigmoid(gates[:, dc:2 * dc])
        gg = jnp.tanh(gates[:, 2 * dc:3 * dc])
        og = jax.nn.sigmoid(gates[:, 3 * dc:4 * dc])
        qc = fg * qc + ig * gg
        qh = og * jnp.tanh(qc)
        qs = lax.dot_general(qh, s, (((1,), (1,)), ((), ())),
                             preferred_element_type=jnp.float32)
        eb = jnp.where(msk, qs, -jnp.inf)
        emax = jnp.max(eb, axis=1, keepdims=True)
        emax = jnp.where(emax > -jnp.inf, emax, 0.0)
        eeb = jnp.where(msk, jnp.exp(qs - emax), 0.0)
        den = jnp.sum(eeb, axis=1, keepdims=True)
        ab = eeb / (den + 1e-16)
        rvec = lax.dot_general(ab, s, (((1,), (0,)), ((), ())),
                               preferred_element_type=jnp.float32)
        q_star = jnp.concatenate([qh, rvec], axis=1)
    og2 = jnp.concatenate([q_star, ga_ref[...]], axis=1)
    h1 = jnp.maximum(
        lax.dot_general(og2, w1_ref[...], (((1,), (0,)), ((), ())),
                        preferred_element_type=jnp.float32) + b1_ref[...], 0.0)
    o_ref[...] = lax.dot_general(h1, w2_ref[...], (((1,), (0,)), ((), ())),
                                 preferred_element_type=jnp.float32) + b2_ref[...]


def _tc_set2set(s, batch_row, ga, lwih, lwhh, lbih, lbhh, w1, b1, w2, b2):
    n, dc = s.shape
    ngr = ga.shape[0]
    dout = w2.shape[1]
    return pl.pallas_call(
        functools.partial(_set2set_body, _STEPS, ngr, n, dc),
        out_shape=jax.ShapeDtypeStruct((ngr, dout), jnp.float32),
    )(s, batch_row, ga, lwih, lwhh, lbih.reshape(1, -1), lbhh.reshape(1, -1),
      w1, b1.reshape(1, -1), w2, b2.reshape(1, -1))



def kernel(x, edge_index, edge_attr, batch, graph_attr, W0, b0, We1, be1,
           We2, be2, Wroot, bconv, gru_Wih, gru_Whh, gru_bih, gru_bhh,
           lstm_Wih, lstm_Whh, lstm_bih, lstm_bhh, W1, b1, W2, b2):
    n = x.shape[0]
    e = edge_index.shape[1]
    dc = W0.shape[1]

    align = _NW * _CHUNK
    e_pad = ((e + align - 1) // align) * align
    ch = e_pad // _NW // _CHUNK
    pad = e_pad - e

    nsplit = 2
    part = e_pad // nsplit
    chp = ch // nsplit
    src_p = jnp.pad(edge_index[0], (0, pad))
    dst_p = jnp.pad(edge_index[1], (0, pad))
    src_rs = [src_p[k * part:(k + 1) * part].reshape(_NW, chp, _CHUNK)
              for k in range(nsplit)]
    dst_s = [dst_p[k * part:(k + 1) * part] for k in range(nsplit)]
    dst_f = dst_p
    ea_p = jnp.pad(edge_attr, ((0, pad), (0, 0)))
    ones8 = jnp.pad(jnp.ones((e, 8), jnp.float32), ((0, pad), (0, 0)))
    zer_dc = jnp.zeros((n, dc), jnp.float32)
    zer8 = jnp.zeros((n, 8), jnp.float32)
    batch_row = batch.reshape(1, n)

    s, s_bf = _tc_lin_relu2(x, W0, b0)
    hid_s = [_tc_hidden(ea_p[k * part:(k + 1) * part], We1, be1, blk=4096)
             for k in range(nsplit)]
    degp = _sc_scatter_add(dst_f, ones8, zer8, n)
    we2b = We2.astype(jnp.bfloat16)
    e_s = [max(0, min(e - k * part, part)) for k in range(nsplit)]

    bmat = be2.reshape(dc, dc)
    lane = jnp.arange(dc * dc, dtype=jnp.int32)
    rexp = (lane[None, :] // dc == jnp.arange(dc, dtype=jnp.int32)[:, None]
            ).astype(jnp.bfloat16)
    rsum = (lane[:, None] % dc == jnp.arange(dc, dtype=jnp.int32)[None, :]
            ).astype(jnp.bfloat16)

    for _ in range(_MP_TIMES):
        xs_s = [_sc_gather(src_rs[k], s_bf, part) for k in range(nsplit)]
        msg_s = [_tc_msg(hid_s[k], xs_s[k], we2b, bmat, rexp, rsum, e_s[k])
                 for k in range(nsplit)]
        agg_s = [_sc_scatter_add(dst_s[k], msg_s[k], zer_dc, n)
                 for k in range(nsplit)]
        agg_a, agg_b = agg_s
        s, s_bf = _tc_update(s, agg_a, agg_b, degp, Wroot, bconv,
                             gru_Wih, gru_Whh, gru_bih, gru_bhh)

    return _tc_set2set(s, batch_row, graph_attr, lstm_Wih, lstm_Whh,
                       lstm_bih, lstm_bhh, W1, b1, W2, b2)

# --- scband reference (transcript-rebuilt; emitter-appended) ---
"""Pipeline reference for scband-graph-prediction-model-9371618640686 (READ-ONLY COPY).

The authoritative reference and input builder live on the scoring server;
editing this copy changes nothing except your own understanding.
"""

import jax, jax.numpy as jnp
import numpy as np

N = 10000
E = 160000
D_FEAT = 128
D_EDGE = 16
D_CONV = 32
D_LIN = 128
N_GRAPH = 64
D_GATTR = 16
D_OUT = 1
MP_TIMES = 3
STEPS = 3


def setup_inputs(seed: int = 0):
    key = jax.random.key(seed)
    ks = jax.random.split(key, 20)
    s = 0.05
    inp = {}
    inp["x"] = jax.random.normal(ks[0], (N, D_FEAT), dtype=jnp.float32)
    inp["edge_index"] = jax.random.randint(ks[1], (2, E), 0, N, dtype=jnp.int32)
    inp["edge_attr"] = jax.random.normal(ks[2], (E, D_EDGE), dtype=jnp.float32)
    inp["batch"] = jnp.sort(jax.random.randint(ks[3], (N,), 0, N_GRAPH, dtype=jnp.int32))
    inp["graph_attr"] = jax.random.normal(ks[4], (N_GRAPH, D_GATTR), dtype=jnp.float32)
    inp["W0"] = jax.random.normal(ks[5], (D_FEAT, D_CONV), dtype=jnp.float32) * s
    inp["b0"] = jnp.zeros((D_CONV,), jnp.float32)
    inp["We1"] = jax.random.normal(ks[6], (D_EDGE, D_LIN), dtype=jnp.float32) * s
    inp["be1"] = jnp.zeros((D_LIN,), jnp.float32)
    inp["We2"] = jax.random.normal(ks[7], (D_LIN, D_CONV * D_CONV), dtype=jnp.float32) * s
    inp["be2"] = jnp.zeros((D_CONV * D_CONV,), jnp.float32)
    inp["Wroot"] = jax.random.normal(ks[8], (D_CONV, D_CONV), dtype=jnp.float32) * s
    inp["bconv"] = jnp.zeros((D_CONV,), jnp.float32)
    inp["gru_Wih"] = jax.random.normal(ks[9], (3 * D_CONV, D_CONV), dtype=jnp.float32) * s
    inp["gru_Whh"] = jax.random.normal(ks[10], (3 * D_CONV, D_CONV), dtype=jnp.float32) * s
    inp["gru_bih"] = jnp.zeros((3 * D_CONV,), jnp.float32)
    inp["gru_bhh"] = jnp.zeros((3 * D_CONV,), jnp.float32)
    inp["lstm_Wih"] = jax.random.normal(ks[11], (4 * D_CONV, 2 * D_CONV), dtype=jnp.float32) * s
    inp["lstm_Whh"] = jax.random.normal(ks[12], (4 * D_CONV, D_CONV), dtype=jnp.float32) * s
    inp["lstm_bih"] = jnp.zeros((4 * D_CONV,), jnp.float32)
    inp["lstm_bhh"] = jnp.zeros((4 * D_CONV,), jnp.float32)
    inp["W1"] = jax.random.normal(ks[13], (2 * D_CONV + D_GATTR, D_CONV), dtype=jnp.float32) * s
    inp["b1"] = jnp.zeros((D_CONV,), jnp.float32)
    inp["W2"] = jax.random.normal(ks[14], (D_CONV, D_OUT), dtype=jnp.float32) * s
    inp["b2"] = jnp.zeros((D_OUT,), jnp.float32)
    return inp


def _forward(x, edge_attr, graph_attr, W0, b0, We1, be1, We2, be2, Wroot, bconv,
             gru_Wih, gru_Whh, gru_bih, gru_bhh,
             lstm_Wih, lstm_Whh, lstm_bih, lstm_bhh,
             W1, b1, W2, b2, edge_index, batch):
    src = edge_index[0]
    dst = edge_index[1]
    # lin0 + relu
    out = jax.nn.relu(x @ W0 + b0)
    h = out
    # NNConv edge network: per-edge [D_CONV, D_CONV] weight matrices (constant over mp iterations)
    ew = (jax.nn.relu(edge_attr @ We1 + be1) @ We2 + be2).reshape(E, D_CONV, D_CONV)
    deg = jax.ops.segment_sum(jnp.ones((E,), jnp.float32), dst, num_segments=N)
    deg = jnp.maximum(deg, 1.0)
    for _ in range(MP_TIMES):
        # NNConv message: x_src @ Theta(e), mean-aggregated at dst, plus root transform
        msg = jnp.einsum('ei,eio->eo', jnp.take(out, src, axis=0), ew)
        agg = jax.ops.segment_sum(msg, dst, num_segments=N) / deg[:, None]
        m = jax.nn.relu(out @ Wroot + agg + bconv)
        # GRU cell (seq_len=1)
        gi = m @ gru_Wih.T + gru_bih
        gh = h @ gru_Whh.T + gru_bhh
        ir, iz, inn = jnp.split(gi, 3, axis=1)
        hr, hz, hn = jnp.split(gh, 3, axis=1)
        r = jax.nn.sigmoid(ir + hr)
        z = jax.nn.sigmoid(iz + hz)
        ng = jnp.tanh(inn + r * hn)
        h = (1.0 - z) * ng + z * h
        out = h
    # Set2Set pooling
    qh = jnp.zeros((N_GRAPH, D_CONV), jnp.float32)
    qc = jnp.zeros((N_GRAPH, D_CONV), jnp.float32)
    q_star = jnp.zeros((N_GRAPH, 2 * D_CONV), jnp.float32)
    for _ in range(STEPS):
        gates = q_star @ lstm_Wih.T + lstm_bih + qh @ lstm_Whh.T + lstm_bhh
        ig, fg, gg, og = jnp.split(gates, 4, axis=1)
        ig = jax.nn.sigmoid(ig)
        fg = jax.nn.sigmoid(fg)
        gg = jnp.tanh(gg)
        og = jax.nn.sigmoid(og)
        qc = fg * qc + ig * gg
        qh = og * jnp.tanh(qc)
        q = qh
        e = jnp.sum(out * jnp.take(q, batch, axis=0), axis=1)
        emax = jax.ops.segment_max(e, batch, num_segments=N_GRAPH)
        emax = jnp.where(jnp.isfinite(emax), emax, 0.0)
        ee = jnp.exp(e - jnp.take(emax, batch, axis=0))
        denom = jax.ops.segment_sum(ee, batch, num_segments=N_GRAPH)
        a = ee / (jnp.take(denom, batch, axis=0) + 1e-16)
        rvec = jax.ops.segment_sum(a[:, None] * out, batch, num_segments=N_GRAPH)
        q_star = jnp.concatenate([q, rvec], axis=1)
    og2 = jnp.concatenate([q_star, graph_attr], axis=1)
    og2 = jax.nn.relu(og2 @ W1 + b1)
    return og2 @ W2 + b2


def reference(x, edge_index, edge_attr, batch, graph_attr, W0, b0, We1, be1, We2, be2,
              Wroot, bconv, gru_Wih, gru_Whh, gru_bih, gru_bhh,
              lstm_Wih, lstm_Whh, lstm_bih, lstm_bhh, W1, b1, W2, b2):
    return _forward(x, edge_attr, graph_attr, W0, b0, We1, be1, We2, be2, Wroot, bconv,
                    gru_Wih, gru_Whh, gru_bih, gru_bhh,
                    lstm_Wih, lstm_Whh, lstm_bih, lstm_bhh,
                    W1, b1, W2, b2, edge_index, batch)

if __name__ == "__main__":
    import jax
    _d = setup_inputs()
    print(jax.jit(kernel)(*tuple(_d.values())))

</pallas_src>

<mosaic_0001>
#map = affine_map<(d0, d1) -> (0)>
#map1 = affine_map<(d0, d1) -> (0, 0)>
module attributes {stable_mosaic.version = 14 : i64} {
  func.func @scatter(%arg0: i32, %arg1: i32, %arg2: memref<163840xi32, #tpu.memory_space<hbm>>, %arg3: memref<163840x8xf32, #tpu.memory_space<hbm>>, %arg4: memref<10000x8xf32, #tpu.memory_space<hbm>>, %arg5: memref<20000x8xf32, #tpu.memory_space<hbm>>, %arg6: memref<128xi32, #tpu.memory_space<vmem>>, %arg7: memref<128xi32, #tpu.memory_space<vmem>>, %arg8: memref<128x8xf32, #tpu.memory_space<vmem>>, %arg9: memref<128x8xf32, #tpu.memory_space<vmem>>, %arg10: memref<10000x8xf32, #tpu.memory_space<vmem_shared>>, %arg11: memref<!tpu.dma_semaphore, #tpu.memory_space<semaphore_mem>>, %arg12: memref<!tpu.dma_semaphore, #tpu.memory_space<semaphore_mem>>) attributes {dimension_semantics = [#tpu.dimension_semantics<core_parallel>, #tpu.dimension_semantics<subcore_parallel>], iteration_bounds = array<i64: 2, 16>, scalar_prefetch = 0 : i64, scratch_operands = 7 : i64, tpu.core_type = #tpu.core_type<sc_vector_subcore>, window_params = [{transform_indices = #map}, {transform_indices = #map1}, {transform_indices = #map1}, {transform_indices = #map1}]} {
    %mul3A = arith.constant 2 : i32
    %mul3A_0 = arith.muli %arg1, %mul3A : i32
    %add3A = arith.addi %mul3A_0, %arg0 : i32
    %mul3A_1 = arith.constant 5120 : i32
    %mul3A_2 = arith.muli %add3A, %mul3A_1 : i32
    %mul3A_3 = arith.constant 625 : i32
    %mul3A_4 = arith.muli %arg1, %mul3A_3 : i32
    "tpu.region"() ({
      %run_scoped3A = tpu.sem_alloc : memref<!tpu.dma_semaphore, #tpu.memory_space<semaphore_mem>>
      %dma_start3A = arith.constant 0 : i32
      %dma_start3A_18 = tpu.memref_slice %arg10[%mul3A_4, %dma_start3A] : memref<10000x8xf32, #tpu.memory_space<vmem_shared>> -> memref<625x8xf32, #tpu.memory_space<vmem_shared>>
      %dma_start3A_19 = arith.constant 0 : i32
      %dma_start3A_20 = tpu.memref_slice %arg4[%mul3A_4, %dma_start3A_19] : memref<10000x8xf32, #tpu.memory_space<hbm>> -> memref<625x8xf32, #tpu.memory_space<hbm>>
      tpu.enqueue_dma source(%dma_start3A_20 : memref<625x8xf32, #tpu.memory_space<hbm>>) target(%dma_start3A_18 : memref<625x8xf32, #tpu.memory_space<vmem_shared>>) target_semaphore(%run_scoped3A : memref<!tpu.dma_semaphore, #tpu.memory_space<semaphore_mem>>)
      %dma_wait3A_21 = arith.constant 0 : i32
      %dma_wait3A_22 = tpu.memref_slice %arg10[%mul3A_4, %dma_wait3A_21] : memref<10000x8xf32, #tpu.memory_space<vmem_shared>> -> memref<625x8xf32, #tpu.memory_space<vmem_shared>>
      %dma_wait3A_23 = arith.constant 0 : i32
      %dma_wait3A_24 = tpu.memref_slice %arg4[%mul3A_4, %dma_wait3A_23] : memref<10000x8xf32, #tpu.memory_space<hbm>> -> memref<625x8xf32, #tpu.memory_space<hbm>>
      tpu.wait_dma2 semaphore(%run_scoped3A : memref<!tpu.dma_semaphore, #tpu.memory_space<semaphore_mem>>) src(%dma_wait3A_24 : memref<625x8xf32, #tpu.memory_space<hbm>>) dst(%dma_wait3A_22 : memref<625x8xf32, #tpu.memory_space<vmem_shared>>)
      tpu.yield
    }) : () -> ()
    %barrier3A = arith.constant 0 : index
    tpu.barrier barrier_id(%barrier3A)
    %scan3A = arith.constant 0 : i32
    %scan3A_5 = arith.constant 20 : i32
    %scan3A_6 = arith.addi %scan3A, %scan3A_5 : i32
    %scan3A_7 = arith.constant 1 : i32
    scf.for %scan3A_18 = %scan3A to %scan3A_6 step %scan3A_7  : i32 {
      %mul3A_19 = arith.constant 1 : i32
      %mul3A_20 = arith.muli %scan3A_18, %mul3A_19 : i32
      %add3A_21 = arith.constant 0 : i32
      %add3A_22 = arith.addi %add3A_21, %mul3A_20 : i32
      %mul3A_23 = arith.constant 2 : i32
      %mul3A_24 = arith.muli %add3A_22, %mul3A_23 : i32
      %gt3A = arith.constant 0 : i32
      %gt3A_25 = arith.cmpi sgt, %add3A_22, %gt3A : i32
      %convert_element_type3A = arith.extui %gt3A_25 : i1 to i32
      %cond3A = arith.constant 0 : i32
      %cond3A_26 = arith.cmpi ne, %convert_element_type3A, %cond3A : i32
      scf.if %cond3A_26 {
        %dma_wait3A_53 = arith.constant 0 : i32
        %dma_wait3A_54 = arith.constant 0 : i32
        %dma_wait3A_55 = tpu.memref_slice %arg10[%dma_wait3A_53, %dma_wait3A_54] : memref<10000x8xf32, #tpu.memory_space<vmem_shared>> -> memref<10000x8xf32, #tpu.memory_space<vmem_shared>>
        tpu.wait_indirect_dma semaphore(%arg11 : memref<!tpu.dma_semaphore, #tpu.memory_space<semaphore_mem>>) src(%arg8 : memref<128x8xf32, #tpu.memory_space<vmem>>) dst(%dma_wait3A_55 : memref<10000x8xf32, #tpu.memory_space<vmem_shared>>)
      } else {
      }
      %mul3A_27 = arith.constant 128 : i32
      %mul3A_28 = arith.muli %mul3A_24, %mul3A_27 : i32
      %add3A_29 = arith.addi %mul3A_2, %mul3A_28 : i32
      "tpu.region"() ({
        %run_scoped3A = tpu.sem_alloc : memref<!tpu.dma_semaphore, #tpu.memory_space<semaphore_mem>>
        %dma_start3A_53 = tpu.memref_slice %arg2[%add3A_29] : memref<163840xi32, #tpu.memory_space<hbm>> -> memref<128xi32, #tpu.memory_space<hbm>>
        %dma_start3A_54 = tpu.memref_slice %arg2[%add3A_29] : memref<163840xi32, #tpu.memory_space<hbm>> -> memref<128xi32, #tpu.memory_space<hbm>>
        tpu.enqueue_dma source(%dma_start3A_54 : memref<128xi32, #tpu.memory_space<hbm>>) target(%arg6 : memref<128xi32, #tpu.memory_space<vmem>>) target_semaphore(%run_scoped3A : memref<!tpu.dma_semaphore, #tpu.memory_space<semaphore_mem>>)
        %dma_wait3A_55 = tpu.memref_slice %arg2[%add3A_29] : memref<163840xi32, #tpu.memory_space<hbm>> -> memref<128xi32, #tpu.memory_space<hbm>>
        %dma_wait3A_56 = tpu.memref_slice %arg2[%add3A_29] : memref<163840xi32, #tpu.memory_space<hbm>> -> memref<128xi32, #tpu.memory_space<hbm>>
        tpu.wait_dma2 semaphore(%run_scoped3A : memref<!tpu.dma_semaphore, #tpu.memory_space<semaphore_mem>>) src(%dma_wait3A_56 : memref<128xi32, #tpu.memory_space<hbm>>) dst(%arg6 : memref<128xi32, #tpu.memory_space<vmem>>)
        tpu.yield
      }) : () -> ()
      %mul3A_30 = arith.constant 128 : i32
      %mul3A_31 = arith.muli %mul3A_24, %mul3A_30 : i32
      %add3A_32 = arith.addi %mul3A_2, %mul3A_31 : i32
      "tpu.region"() ({
        %run_scoped3A = tpu.sem_alloc : memref<!tpu.dma_semaphore, #tpu.memory_space<semaphore_mem>>
        %dma_start3A_53 = arith.constant 0 : i32
        %dma_start3A_54 = tpu.memref_slice %arg3[%add3A_32, %dma_start3A_53] : memref<163840x8xf32, #tpu.memory_space<hbm>> -> memref<128x8xf32, #tpu.memory_space<hbm>>
        %dma_start3A_55 = arith.constant 0 : i32
        %dma_start3A_56 = tpu.memref_slice %arg3[%add3A_32, %dma_start3A_55] : memref<163840x8xf32, #tpu.memory_space<hbm>> -> memref<128x8xf32, #tpu.memory_space<hbm>>
        tpu.enqueue_dma source(%dma_start3A_56 : memref<128x8xf32, #tpu.memory_space<hbm>>) target(%arg8 : memref<128x8xf32, #tpu.memory_space<vmem>>) target_semaphore(%run_scoped3A : memref<!tpu.dma_semaphore, #tpu.memory_space<semaphore_mem>>)
        %dma_wait3A_57 = arith.constant 0 : i32
        %dma_wait3A_58 = tpu.memref_slice %arg3[%add3A_32, %dma_wait3A_57] : memref<163840x8xf32, #tpu.memory_space<hbm>> -> memref<128x8xf32, #tpu.memory_space<hbm>>
        %dma_wait3A_59 = arith.constant 0 : i32
        %dma_wait3A_60 = tpu.memref_slice %arg3[%add3A_32, %dma_wait3A_59] : memref<163840x8xf32, #tpu.memory_space<hbm>> -> memref<128x8xf32, #tpu.memory_space<hbm>>
        tpu.wait_dma2 semaphore(%run_scoped3A : memref<!tpu.dma_semaphore, #tpu.memory_space<semaphore_mem>>) src(%dma_wait3A_60 : memref<128x8xf32, #tpu.memory_space<hbm>>) dst(%arg8 : memref<128x8xf32, #tpu.memory_space<vmem>>)
        tpu.yield
      }) : () -> ()
      %dma_start3A = arith.constant 0 : i32
      %dma_start3A_33 = arith.constant 0 : i32
      %dma_start3A_34 = tpu.memref_slice %arg10[%dma_start3A, %dma_start3A_33] : memref<10000x8xf32, #tpu.memory_space<vmem_shared>> -> memref<10000x8xf32, #tpu.memory_space<vmem_shared>>
      tpu.enqueue_indirect_dma source(%arg8 : memref<128x8xf32, #tpu.memory_space<vmem>>) target(%dma_start3A_34 : memref<10000x8xf32, #tpu.memory_space<vmem_shared>>) offsets(%arg6 : memref<128xi32, #tpu.memory_space<vmem>>) semaphore(%arg11 : memref<!tpu.dma_semaphore, #tpu.memory_space<semaphore_mem>>) {add = true}
      %gt3A_35 = arith.constant 0 : i32
      %gt3A_36 = arith.cmpi sgt, %add3A_22, %gt3A_35 : i32
      %convert_element_type3A_37 = arith.extui %gt3A_36 : i1 to i32
      %cond3A_38 = arith.constant 0 : i32
      %cond3A_39 = arith.cmpi ne, %convert_element_type3A_37, %cond3A_38 : i32
      scf.if %cond3A_39 {
        %dma_wait3A_53 = arith.constant 0 : i32
        %dma_wait3A_54 = arith.constant 0 : i32
        %dma_wait3A_55 = tpu.memref_slice %arg10[%dma_wait3A_53, %dma_wait3A_54] : memref<10000x8xf32, #tpu.memory_space<vmem_shared>> -> memref<10000x8xf32, #tpu.memory_space<vmem_shared>>
        tpu.wait_indirect_dma semaphore(%arg12 : memref<!tpu.dma_semaphore, #tpu.memory_space<semaphore_mem>>) src(%arg9 : memref<128x8xf32, #tpu.memory_space<vmem>>) dst(%dma_wait3A_55 : memref<10000x8xf32, #tpu.memory_space<vmem_shared>>)
      } else {
      }
      %add3A_40 = arith.constant 1 : i32
      %add3A_41 = arith.addi %mul3A_24, %add3A_40 : i32
      %mul3A_42 = arith.constant 128 : i32
      %mul3A_43 = arith.muli %add3A_41, %mul3A_42 : i32
      %add3A_44 = arith.addi %mul3A_2, %mul3A_43 : i32
      "tpu.region"() ({
        %run_scoped3A = tpu.sem_alloc : memref<!tpu.dma_semaphore, #tpu.memory_space<semaphore_mem>>
        %dma_start3A_53 = tpu.memref_slice %arg2[%add3A_44] : memref<163840xi32, #tpu.memory_space<hbm>> -> memref<128xi32, #tpu.memory_space<hbm>>
        %dma_start3A_54 = tpu.memref_slice %arg2[%add3A_44] : memref<163840xi32, #tpu.memory_space<hbm>> -> memref<128xi32, #tpu.memory_space<hbm>>
        tpu.enqueue_dma source(%dma_start3A_54 : memref<128xi32, #tpu.memory_space<hbm>>) target(%arg7 : memref<128xi32, #tpu.memory_space<vmem>>) target_semaphore(%run_scoped3A : memref<!tpu.dma_semaphore, #tpu.memory_space<semaphore_mem>>)
        %dma_wait3A_55 = tpu.memref_slice %arg2[%add3A_44] : memref<163840xi32, #tpu.memory_space<hbm>> -> memref<128xi32, #tpu.memory_space<hbm>>
        %dma_wait3A_56 = tpu.memref_slice %arg2[%add3A_44] : memref<163840xi32, #tpu.memory_space<hbm>> -> memref<128xi32, #tpu.memory_space<hbm>>
        tpu.wait_dma2 semaphore(%run_scoped3A : memref<!tpu.dma_semaphore, #tpu.memory_space<semaphore_mem>>) src(%dma_wait3A_56 : memref<128xi32, #tpu.memory_space<hbm>>) dst(%arg7 : memref<128xi32, #tpu.memory_space<vmem>>)
        tpu.yield
      }) : () -> ()
      %add3A_45 = arith.constant 1 : i32
      %add3A_46 = arith.addi %mul3A_24, %add3A_45 : i32
      %mul3A_47 = arith.constant 128 : i32
      %mul3A_48 = arith.muli %add3A_46, %mul3A_47 : i32
      %add3A_49 = arith.addi %mul3A_2, %mul3A_48 : i32
      "tpu.region"() ({
        %run_scoped3A = tpu.sem_alloc : memref<!tpu.dma_semaphore, #tpu.memory_space<semaphore_mem>>
        %dma_start3A_53 = arith.constant 0 : i32
        %dma_start3A_54 = tpu.memref_slice %arg3[%add3A_49, %dma_start3A_53] : memref<163840x8xf32, #tpu.memory_space<hbm>> -> memref<128x8xf32, #tpu.memory_space<hbm>>
        %dma_start3A_55 = arith.constant 0 : i32
        %dma_start3A_56 = tpu.memref_slice %arg3[%add3A_49, %dma_start3A_55] : memref<163840x8xf32, #tpu.memory_space<hbm>> -> memref<128x8xf32, #tpu.memory_space<hbm>>
        tpu.enqueue_dma source(%dma_start3A_56 : memref<128x8xf32, #tpu.memory_space<hbm>>) target(%arg9 : memref<128x8xf32, #tpu.memory_space<vmem>>) target_semaphore(%run_scoped3A : memref<!tpu.dma_semaphore, #tpu.memory_space<semaphore_mem>>)
        %dma_wait3A_57 = arith.constant 0 : i32
        %dma_wait3A_58 = tpu.memref_slice %arg3[%add3A_49, %dma_wait3A_57] : memref<163840x8xf32, #tpu.memory_space<hbm>> -> memref<128x8xf32, #tpu.memory_space<hbm>>
        %dma_wait3A_59 = arith.constant 0 : i32
        %dma_wait3A_60 = tpu.memref_slice %arg3[%add3A_49, %dma_wait3A_59] : memref<163840x8xf32, #tpu.memory_space<hbm>> -> memref<128x8xf32, #tpu.memory_space<hbm>>
        tpu.wait_dma2 semaphore(%run_scoped3A : memref<!tpu.dma_semaphore, #tpu.memory_space<semaphore_mem>>) src(%dma_wait3A_60 : memref<128x8xf32, #tpu.memory_space<hbm>>) dst(%arg9 : memref<128x8xf32, #tpu.memory_space<vmem>>)
        tpu.yield
      }) : () -> ()
      %dma_start3A_50 = arith.constant 0 : i32
      %dma_start3A_51 = arith.constant 0 : i32
      %dma_start3A_52 = tpu.memref_slice %arg10[%dma_start3A_50, %dma_start3A_51] : memref<10000x8xf32, #tpu.memory_space<vmem_shared>> -> memref<10000x8xf32, #tpu.memory_space<vmem_shared>>
      tpu.enqueue_indirect_dma source(%arg9 : memref<128x8xf32, #tpu.memory_space<vmem>>) target(%dma_start3A_52 : memref<10000x8xf32, #tpu.memory_space<vmem_shared>>) offsets(%arg7 : memref<128xi32, #tpu.memory_space<vmem>>) semaphore(%arg12 : memref<!tpu.dma_semaphore, #tpu.memory_space<semaphore_mem>>) {add = true}
    }
    %scan3A_8 = arith.constant 20 : i32
    %dma_wait3A = arith.constant 0 : i32
    %dma_wait3A_9 = arith.constant 0 : i32
    %dma_wait3A_10 = tpu.memref_slice %arg10[%dma_wait3A, %dma_wait3A_9] : memref<10000x8xf32, #tpu.memory_space<vmem_shared>> -> memref<10000x8xf32, #tpu.memory_space<vmem_shared>>
    tpu.wait_indirect_dma semaphore(%arg11 : memref<!tpu.dma_semaphore, #tpu.memory_space<semaphore_mem>>) src(%arg8 : memref<128x8xf32, #tpu.memory_space<vmem>>) dst(%dma_wait3A_10 : memref<10000x8xf32, #tpu.memory_space<vmem_shared>>)
    %dma_wait3A_11 = arith.constant 0 : i32
    %dma_wait3A_12 = arith.constant 0 : i32
    %dma_wait3A_13 = tpu.memref_slice %arg10[%dma_wait3A_11, %dma_wait3A_12] : memref<10000x8xf32, #tpu.memory_space<vmem_shared>> -> memref<10000x8xf32, #tpu.memory_space<vmem_shared>>
    tpu.wait_indirect_dma semaphore(%arg12 : memref<!tpu.dma_semaphore, #tpu.memory_space<semaphore_mem>>) src(%arg9 : memref<128x8xf32, #tpu.memory_space<vmem>>) dst(%dma_wait3A_13 : memref<10000x8xf32, #tpu.memory_space<vmem_shared>>)
    %barrier3A_14 = arith.constant 0 : index
    tpu.barrier barrier_id(%barrier3A_14)
    %mul3A_15 = arith.constant 10000 : i32
    %mul3A_16 = arith.muli %arg0, %mul3A_15 : i32
    %add3A_17 = arith.addi %mul3A_16, %mul3A_4 : i32
    "tpu.region"() ({
      %run_scoped3A = tpu.sem_alloc : memref<!tpu.dma_semaphore, #tpu.memory_space<semaphore_mem>>
      %dma_start3A = arith.constant 0 : i32
      %dma_start3A_18 = tpu.memref_slice %arg5[%add3A_17, %dma_start3A] : memref<20000x8xf32, #tpu.memory_space<hbm>> -> memref<625x8xf32, #tpu.memory_space<hbm>>
      %dma_start3A_19 = arith.constant 0 : i32
      %dma_start3A_20 = tpu.memref_slice %arg10[%mul3A_4, %dma_start3A_19] : memref<10000x8xf32, #tpu.memory_space<vmem_shared>> -> memref<625x8xf32, #tpu.memory_space<vmem_shared>>
      tpu.enqueue_dma source(%dma_start3A_20 : memref<625x8xf32, #tpu.memory_space<vmem_shared>>) target(%dma_start3A_18 : memref<625x8xf32, #tpu.memory_space<hbm>>) target_semaphore(%run_scoped3A : memref<!tpu.dma_semaphore, #tpu.memory_space<semaphore_mem>>)
      %dma_wait3A_21 = arith.constant 0 : i32
      %dma_wait3A_22 = tpu.memref_slice %arg5[%add3A_17, %dma_wait3A_21] : memref<20000x8xf32, #tpu.memory_space<hbm>> -> memref<625x8xf32, #tpu.memory_space<hbm>>
      %dma_wait3A_23 = arith.constant 0 : i32
      %dma_wait3A_24 = tpu.memref_slice %arg10[%mul3A_4, %dma_wait3A_23] : memref<10000x8xf32, #tpu.memory_space<vmem_shared>> -> memref<625x8xf32, #tpu.memory_space<vmem_shared>>
      tpu.wait_dma2 semaphore(%run_scoped3A : memref<!tpu.dma_semaphore, #tpu.memory_space<semaphore_mem>>) src(%dma_wait3A_24 : memref<625x8xf32, #tpu.memory_space<vmem_shared>>) dst(%dma_wait3A_22 : memref<625x8xf32, #tpu.memory_space<hbm>>)
      tpu.yield
    }) : () -> ()
    return
  }
}

</mosaic_0001>

<sc_bundles>
// kernel: _sc_scatter_add.3.cloned.1.call-start
scs
__scs_entry_jumppad:
0x0: {  	(pc) =	sbr.rel $0x88, $3  }
0x1: {  	(tag) =	ssettag $0x0;
	lr =	simm.s32 $0x1  }
0x2: {  	[smem:$0x3F9E] =	sst lr;
	_ =	strace $0xD0000000  }
0x3: {  	_ = 	snop  }
0x4: {  	_ = 	snop  }
0x5: {  	_ = 	snop  }
0x6: {  	_ = 	snop  }
0x7: {  	_ = 	snop  }
__scs_overlays_trampoline_lowered:
0x8: {  	[smem:$0x3FAD] =	sst s0  }
0x9: {  	[smem:$0x3FAE] =	sst s1  }
0xa: {  	[smem:$0x3FAF] =	sst s2  }
0xb: {  	[smem:$0x3FB0] =	sst s3  }
0xc: {  	[smem:$0x3FB1] =	sst s4  }
0xd: {  	[smem:$0x3FB2] =	sst s5  }
0xe: {  	[smem:$0x3FB3] =	sst s6  }
0xf: {  	[smem:$0x3FB4] =	sst s7  }
0x10: {  	[smem:$0x3FB5] =	sst s8  }
0x11: {  	[smem:$0x3FB6] =	sst s9;
	s0 =	simm.s32 @!p0 $0x0  }
0x12: {  	s1 =	sld [smem:$0x3F9C];
	s0 =	simm.s32 @p0 $0x1  }
0x13: {  	[smem:$0x3FB7] =	sst s0;
	s0 =	simm.s32 @!p1 $0x0  }
0x14: {  	s2 =	sld [smem:$0x3F9B];
	s0 =	simm.s32 @p1 $0x1  }
0x15: {  	[smem:$0x3FB8] =	sst s0;
	s0 =	simm.s32 @!p2 $0x0  }
0x16: {  	s3 =	sld [smem:$0x3FDB];
	s0 =	simm.s32 @p2 $0x1  }
0x17: {  	s4 =	simm.s32 $0x1BF5;
	[smem:$0x3FBA] =	sst s0  }
0x18: {  	s0 =	sld [smem:$0x3F9D];
	_ =	swait.ge [sflag:s4], $0x0  }
0x19: {  	s7 =	sld [smem:$0x3F9E]  }
0x1a: {  	s8 =	sadd.s32 $0xFFFFE003, lr  }
0x1b: {  	s9 =	sadd.s32 $0xFFFFFEF7, lr;
	s5 =	simm.s32 $0xFFFFFFFF;
	p2 =	slt.u32 s8, $0xFFFFF086  }
0x1c: {  	p1 =	slt.u32 s9, $0xF7A;
	s5 =	simm.s32 @!p2 $0x0  }
0x1d: {  	s5 =	simm.s32 @p1 $0x1;
	p0 =	seq.s32 s7, s2  }
0x1e: {  	s7 =	smul.u32 @!p0 $0xF7A, s2;
	p2 =	seq.s32 @!p0 s5, $0x0  }
0x1f: {  	s9 =	smul.u32 $0xF7A, s1;
	s8 =	simm.s32 @!p0 $0x1BF5;
	p2 =	por !p2, p0  }
0x20: {  	[sflag:s8] =	ssyncset.s32 @!p0 $0xFFFFF086;
	s6 =	sadd.s32 @!p0 s3, s7;
	s7 =	simm.s32 @!p0 $0x108  }
0x21: {  	s3 =	sadd.s32 s3, s9;
	s6 =	sadd.s32 @!p0 $0x88, s6;
	s7 =	simm.s32 @p2 $0x1082  }
0x22: {  	[simem:s7], [sflag:s8] =	dma.local @!p0 [hbm:s6], $0xF7A  }
0x23: {  	s9 =	sor.u32 $0xD0000000, s2;
	s6 =	simm.s32 $0x108;
	_ =	swait.ge @!p0 [sflag:s8], $0x0  }
0x24: {  	s3 =	sadd.s32 $0x88, s3;
	s6 =	simm.s32 @!p1 $0x1082;
	[sflag:s4] =	ssyncset.s32 $0xFFFFF086  }
0x25: {  	[simem:s6], [sflag:s4] =	dma.local [hbm:s3], $0xF7A  }
0x26: {  	[smem:$0x3F9E] =	sst s1;
	(tag) =	ssettag s2;
	_ =	strace s9  }
0x27: {  	s1 =	sld [smem:$0x3FAE]  }
0x28: {  	s2 =	sld [smem:$0x3FAF]  }
0x29: {  	s4 =	sld [smem:$0x3FB1]  }
0x2a: {  	p0 =	seq.s32 s5, $0x0;
	s5 =	sld [smem:$0x3FB2]  }
0x2b: {  	s6 =	sld [smem:$0x3FB3]  }
0x2c: {  	s7 =	sld [smem:$0x3FB4]  }
0x2d: {  	s3 =	simm.s32 $0x108;
	s8 =	sld [smem:$0x3FB5]  }
0x2e: {  	s3 =	simm.s32 @!p0 $0x1082;
	s9 =	sld [smem:$0x3FB6]  }
0x2f: {  	lr =	sadd.s32 s0, s3;
	s0 =	sld [smem:$0x3FAD]  }
0x30: {  	s3 =	sld [smem:$0x3FB0]  }
0x31: {  	[smem:$0x3FB9] =	sst s10  }
0x32: {  	s10 =	sld [smem:$0x3FB7];
	_ =	sdelay $0x3  }
0x33: {  	p0 =	seq.s32 s10, $0x1;
	s10 =	sld [smem:$0x3FB9];
	_ =	sdelay $0x3  }
0x34: {  	[smem:$0x3FB9] =	sst s10  }
0x35: {  	s10 =	sld [smem:$0x3FB8];
	_ =	sdelay $0x3  }
0x36: {  	p1 =	seq.s32 s10, $0x1;
	s10 =	sld [smem:$0x3FB9];
	_ =	sdelay $0x3  }
0x37: {  	[smem:$0x3FB9] =	sst s10  }
0x38: {  	s10 =	sld [smem:$0x3FBA]  }
0x39: {  	_ = 	snop;
	(pc) =	sbr.ind lr, $3  }
0x3a: {  	_ = 	snop  }
0x3b: {  	_ = 	snop  }
0x3c: {  	p2 =	seq.s32 s10, $0x1;
	s10 =	sld [smem:$0x3FB9]  }
0x3d: {  	_ =	shalt  }
0x3e: {  	_ =	shalt  }
0x3f: {  	_ =	shalt  }
0x40: {  	_ =	shalt  }
0x41: {  	_ =	shalt  }
0x42: {  	_ =	shalt  }
0x43: {  	_ =	shalt  }
0x44: {  	_ =	shalt  }
0x45: {  	_ =	shalt  }
0x46: {  	_ =	shalt  }
0x47: {  	_ =	shalt  }
0x48: {  	_ =	shalt  }
0x49: {  	_ =	shalt  }
0x4a: {  	_ =	shalt  }
0x4b: {  	_ =	shalt  }
0x4c: {  	_ =	shalt  }
0x4d: {  	_ =	shalt  }
0x4e: {  	_ =	shalt  }
0x4f: {  	_ =	shalt  }
0x50: {  	_ =	shalt  }
0x51: {  	_ =	shalt  }
0x52: {  	_ =	shalt  }
0x53: {  	_ =	shalt  }
0x54: {  	_ =	shalt  }
0x55: {  	_ =	shalt  }
0x56: {  	_ =	shalt  }
0x57: {  	_ =	shalt  }
0x58: {  	_ =	shalt  }
0x59: {  	_ =	shalt  }
0x5a: {  	_ =	shalt  }
0x5b: {  	_ =	shalt  }
0x5c: {  	_ =	shalt  }
0x5d: {  	_ =	shalt  }
0x5e: {  	_ =	shalt  }
0x5f: {  	_ =	shalt  }
0x60: {  	_ =	shalt  }
0x61: {  	_ =	shalt  }
0x62: {  	_ =	shalt  }
0x63: {  	_ =	shalt  }
0x64: {  	_ =	shalt  }
0x65: {  	_ =	shalt  }
0x66: {  	_ =	shalt  }
0x67: {  	_ =	shalt  }
0x68: {  	_ =	shalt  }
0x69: {  	_ =	shalt  }
0x6a: {  	_ =	shalt  }
0x6b: {  	_ =	shalt  }
0x6c: {  	_ =	shalt  }
0x6d: {  	_ =	shalt  }
0x6e: {  	_ =	shalt  }
0x6f: {  	_ =	shalt  }
0x70: {  	_ =	shalt  }
0x71: {  	_ =	shalt  }
0x72: {  	_ =	shalt  }
0x73: {  	_ =	shalt  }
0x74: {  	_ =	shalt  }
0x75: {  	_ =	shalt  }
0x76: {  	_ =	shalt  }
0x77: {  	_ =	shalt  }
0x78: {  	_ =	shalt  }
0x79: {  	_ =	shalt  }
0x7a: {  	_ =	shalt  }
0x7b: {  	_ =	shalt  }
0x7c: {  	_ =	shalt  }
0x7d: {  	_ =	shalt  }
0x7e: {  	_ =	shalt  }
0x7f: {  	_ =	shalt  }
0x80: {  	_ =	shalt  }
0x81: {  	_ =	shalt  }
0x82: {  	_ =	shalt  }
0x83: {  	_ =	shalt  }
0x84: {  	_ =	shalt  }
0x85: {  	_ =	shalt  }
0x86: {  	_ =	shalt  }
0x87: {  	_ =	shalt  }
.Lfunc_end0:
.L_simem_size_0:
called_computation_lowered:
.L_overlay_start_0:
0x88: {  	s2 =	sld [smem:$0x3FD9]  }
0x89: {  	s3 =	sld [smem:$0x3FFE];
	_ =	sdelay $0x1  }
0x8a: {  	s1 =	srdreg.scid  }
0x8b: {  	s0 =	sand.u32 $0x1, s1  }
0x8c: {  	s17 =	sshll.u32 s0, $0xA;
	s2 =	sadd.s32 s3, s2  }
0x8d: {  	s2 =	sadd.s32 s2, s17  }
0x8e: {  	[smem:$0x3FC5] =	sst s2  }
0x8f: {  	_ = 	snop  }
0x90: {  	s2 =	sld [smem:$0x3FC9]  }
0x91: {  	s18 =	sld [smem:$0x3FD0];
	(tm) =	ssettm $0x1  }
0x92: {  	s4 =	sld [smem:$0x3FFB];
	_ =	sdelay $0x3  }
0x93: {  	_ =	strace s4  }
0x94: {  	s4 =	sld [smem:$0x3FFC];
	_ =	sdelay $0x3  }
0x95: {  	_ =	strace s4  }
0x96: {  	s4 =	sld [smem:$0x3FFD];
	_ =	sdelay $0x3  }
0x97: {  	_ =	strace s4  }
0x98: {  	_ =	strace $0x8FFFFFFF  }
0x99: {  	s19 =	sld [smem:$0x3FDB];
	_ =	sdelay $0x1  }
0x9a: {  	s5 =	simm.s32 $_scs_section_size  }
0x9b: {  	s6 =	simm.s32 $_size__tile_overlayer_lowered;
	s7 =	simm.s32 $_tile_overlayer_lowered  }
0x9c: {  	s22 =	simm.s32 $0x1BFF;
	s21 =	sshll.u32 s7, $0x1;
	s4 =	sadd.s32 s5, s19  }
0x9d: {  	s8 =	simm.s32 $0x0;
	s20 =	sshll.u32 s6, $0x1;
	s6 =	sadd.s32 s21, s4  }
0x9e: {  	[timem:s8], [sflag:s22] =	dma.local [hbm:s6], s20  }
0x9f: {  	_ =	swait.ge [sflag:s22], s20  }
0xa0: {  	s5 =	ssub.s32 $0x0, s20;
	[sflag:s22] =	ssyncset.done $0x0  }
0xa1: {  	[sflag:s22] =	ssyncadd.s32 s5;
	_ =	sdelay $0x1  }
0xa2: {  	s23 =	simm.s32 $0x1B8B  }
0xa3: {  	_ =	swait.ge [sflag:s23], $0x1  }
0xa4: {  	[sflag:s23] =	ssyncset.done $0x0  }
0xa5: {  	s25 =	simm.s32 $0x1B8E;
	s24 =	sld [smem:$0x3FFE];
	[sflag:s23] =	ssyncadd.s32 $0xFFFFFFFF  }
0xa6: {  	s26 =	simm.s32 $execute0_lowered;
	[smem:$0x3FD2] =	sst s25  }
0xa7: {  	s6 =	sshll.u32 s26, $0x1;
	_ =	strace $0x80000046;
	[dreg:$0x1] =	wrdreg $0xFFFFFFFF  }
0xa8: {  	s28 =	simm.s32 $_size_execute0_lowered;
	s4 =	sadd.s32 s4, s6;
	[dreg:$0x0] =	wrdreg $0x0  }
0xa9: {  	s6 =	sshll.u32 s28, $0x1;
	[dreg:$0x2] =	wrdreg s4  }
0xaa: {  	[dreg:$0x3] =	wrdreg s6  }
0xab: {  	[dreg:$0x4] =	wrdreg $0xC0  }
0xac: {  	_ =	task [dreg:s8], $0x5FFFF  }
0xad: {  	[dreg:$0x1] =	wrdreg $0xFFFFFFFF  }
0xae: {  	[dreg:$0x0] =	wrdreg $0x60  }
0xaf: {  	[dreg:$0x2] =	wrdreg s2  }
0xb0: {  	[dreg:$0x3] =	wrdreg s24  }
0xb1: {  	[dreg:$0x4] =	wrdreg s18  }
0xb2: {  	[dreg:$0x5] =	wrdreg $0x9000  }
0xb3: {  	[dreg:$0x6] =	wrdreg $0x9  }
0xb4: {  	_ =	task.clear_ibuf [dreg:s8], $0x7FFFF;
	_ =	strace $0x90000046  }
0xb5: {  	s29 =	simm.s32 $0x9;
	_ =	strace $0x80000048  }
0xb6: {  	_ =	swait.ge [sflag:s29], $0x1  }
0xb7: {  	[sflag:s29] =	ssyncadd.s32 $0xFFFFFFFF  }
0xb8: {  	_ =	strace $0x90000048  }
0xb9: {  	_ =	sfence  }
0xba: {  	s30 =	sld [smem:$0x0];
	_ =	sdelay $0x2  }
0xbb: {  	s31 =	sshll.u32 s1, $0xD;
	s1 =	sshrl.u32 s1, $0x2  }
0xbc: {  	s3 =	sand.u32 $0x4000, s31;
	s1 =	sadd.s32 s1, s30  }
0xbd: {  	s0 =	sor.u32 s3, s0;
	s1 =	sshll.u32 s1, $0x11  }
0xbe: {  	s0 =	sor.u32 s1, s0  }
0xbf: {  	s0 =	sadd.s32 $0x8F2B, s0  }
0xc0: {  	[sflag:s0] =	ssyncadd.remote.s32 $0x1  }
0xc1: {  	_ =	sfence.sel $0xFFFF  }
0xc2: {  	[dreg:$0x0] =	wrdreg $0xFFFFFFFF;
	(pc) =	sbr.abs _section_cstart, $3  }
0xc3: {  	[dreg:$0x1] =	wrdreg $0xFFFFFFFF  }
0xc4: {  	_ =	task.clear_ibuf [dreg:s8], $0x2FFFF;
	_ =	strace $0x9FFFFFFF  }
0xc5: {  	(tm) =	ssettm $0x7FFFFFFF  }
tec
execute0_lowered:
.L_overlay_start_1:
0x0: {  	(tag) =	ssettag $0x1  }
0x1: {  	s14 =	rddreg [dreg:$0x0]  }
0x2: {  	s4 =	rddreg [dreg:$0x1]  }
0x3: {  	s6 =	rddreg [dreg:$0x2]  }
0x4: {  	s2 =	rddreg [dreg:$0x3]  }
0x5: {  	s0 =	rddreg [dreg:$0x4]  }
0x6: {  	s3 =	simm.s32 $0x0;
	s1 =	stileid.u32;
	s7 =	srdreg.scid  }
0x7: {  	s18 =	simm.s32 $0x80;
	s19 =	simm.s32 $0x500;
	s20 =	simm.s32 $0x1  }
0x8: {  	[smem:$0x7FF] =	sst s3;
	s5 =	smul.u32 $0x1388, s1;
	s12 =	sadd.s32 $0x280600, s4  }
0x9: {  	s7 =	sand.u32 $0x1, s7;
	s8 =	sshll.u32 s1, $0x1;
	s23 =	smul.u32 $0x271, s1  }
0xa: {  	s24 =	sshll.u32 s1, $0x6;
	s13 =	smul.u32 $0x2800, s1;
	_ =	strace $0x80000047  }
0xb: {  	s10 =	ssub.s32 $0x2, s7;
	s8 =	sor.u32 s7, s8;
	s25 =	smul.u32 $0x2710, s7  }
0xc: {  	s28 =	smul.u32 $0x1400, s7;
	s9 =	sshrl.u32 s5, $0x3;
	s21 =	sshrl.u32 s10, $0x1  }
0xd: {  	s11 =	smul.u32 $0x1400, s8;
	s15 =	sadd.s32 s5, s2;
	s5 =	sor.u32 $0x1C03, s24  }
0xe: {  	s6 =	sadd.s32 s6, s23;
	s4 =	sadd.s32 s9, s4;
	s22 =	ssub.s32 s10, s21  }
0xf: {  	s6 =	sadd.s32 s25, s6;
	s13 =	sadd.s32 s28, s13;
	s15 =	sshrl.u32 s15, $0x3  }
0x10: {  	s21 =	simm.s32 $0x2;
	s4 =	sadd.s32 $0x600, s4;
	s26 =	sshrl.u32 s11, $0x3  }
0x11: {  	s7 =	smax.u32 s22, $0x1;
	s16 =	sor.u32 $0x80, s11;
	s9 =	sadd.s32 s12, s11  }
0x12: {  	s30 =	sor.u32 $0x100, s13;
	s17 =	sor.u32 $0x180, s13;
	s22 =	simm.s32 $0x0  }
0x13: {  	s8 =	sadd.s32 s14, s26;
	s29 =	sshrl.u32 s16, $0x3;
	s11 =	sadd.s32 s12, s16  }
0x14: {  	s12 =	sadd.s32 s12, s13;
	s16 =	sshrl.u32 s30, $0x3;
	s31 =	sshrl.u32 s17, $0x3  }
0x15: {  	s17 =	simm.s32 $0x100;
	s10 =	sadd.s32 s14, s29;
	s12 =	sadd.s32 $0x100, s12  }
0x16: {  	s13 =	sadd.s32 s16, s14;
	s14 =	sadd.s32 s31, s14;
	s16 =	simm.s32 $0x3  }
.LBB2_1:
0x17: {  	[spmem:s15], [sflag:s5] =	dma.local [hbm:s4], $0x271  }
0x18: {  	_ =	swait.ge [sflag:s16], $0x271  }
0x19: {  	[sflag:s16] =	ssyncset.done $0x0  }
0x1a: {  	[sflag:s16] =	ssyncadd.s32 $0xFFFFFD8F  }
0x1b: {  	[bflag:$0x0] =	sbarrier.arrive $0xFFFF  }
0x1c: {  	[tilespmem:s3], [sflag:$0x3] =	stream.linear.gather [hbm4b:s8+s3], $0x80, $0x38;
	[tilespmem:$0x1C88] =	vst v63  }
0x1d: {  	_ =	swait.ge [sflag:s16], $0x80  }
0x1e: {  	[sflag:s16] =	ssyncset.done $0x0  }
0x1f: {  	[sflag:s16] =	ssyncadd.s32 $0xFFFFFF80  }
0x20: {  	[tilespmem:s17], [sflag:$0x3] =	stream.linear.gather [hbm4b:s9+s3], $0x400, $0x38;
	[tilespmem:$0x1C88] =	vst v63  }
0x21: {  	_ =	swait.ge [sflag:s16], $0x400  }
0x22: {  	[sflag:s16] =	ssyncset.done $0x0  }
0x23: {  	[sflag:s16] =	ssyncadd.s32 $0xFFFFFC00  }
0x24: {  	[spmem:s2] =	stream.indirect.scatter.add.f32 [tilespmem:s17], [sflag:$0x1], $0x8, s3, s18, $0xb8;
	[tilespmem:$0x1C88] =	vst v63  }
0x25: {  	_ = 	snop  }
0x26: {  	[tilespmem:s18], [sflag:$0x3] =	stream.linear.gather [hbm4b:s10+s3], $0x80, $0x38;
	[tilespmem:$0x1C88] =	vst v63  }
0x27: {  	_ =	swait.ge [sflag:s16], $0x80  }
0x28: {  	[sflag:s16] =	ssyncset.done $0x0  }
0x29: {  	[sflag:s16] =	ssyncadd.s32 $0xFFFFFF80  }
0x2a: {  	[tilespmem:s19], [sflag:$0x3] =	stream.linear.gather [hbm4b:s11+s3], $0x400, $0x38;
	[tilespmem:$0x1C88] =	vst v63  }
0x2b: {  	_ =	swait.ge [sflag:s16], $0x400  }
0x2c: {  	[sflag:s16] =	ssyncset.done $0x0  }
0x2d: {  	[sflag:s16] =	ssyncadd.s32 $0xFFFFFC00  }
0x2e: {  	[spmem:s2] =	stream.indirect.scatter.add.f32 [tilespmem:s19], [sflag:$0x2], $0x8, s18, s18, $0xb8;
	[tilespmem:$0x1C88] =	vst v63  }
0x2f: {  	_ =	swait.ge [sflag:s20], $0x400  }
0x30: {  	[sflag:s20] =	ssyncset.done $0x0  }
0x31: {  	s23 =	sadd.s32 $0x0, s13;
	[sflag:s20] =	ssyncadd.s32 $0xFFFFFC00  }
0x32: {  	[tilespmem:s3], [sflag:$0x3] =	stream.linear.gather [hbm4b:s23+s3], $0x80, $0x38;
	[tilespmem:$0x1C88] =	vst v63  }
0x33: {  	_ =	swait.ge [sflag:s16], $0x80  }
0x34: {  	[sflag:s16] =	ssyncset.done $0x0  }
0x35: {  	[sflag:s16] =	ssyncadd.s32 $0xFFFFFF80  }
0x36: {  	[tilespmem:s17], [sflag:$0x3] =	stream.linear.gather [hbm4b:s12+s3], $0x400, $0x38;
	[tilespmem:$0x1C88] =	vst v63  }
0x37: {  	_ =	swait.ge [sflag:s16], $0x400  }
0x38: {  	[sflag:s16] =	ssyncset.done $0x0  }
0x39: {  	[sflag:s16] =	ssyncadd.s32 $0xFFFFFC00  }
0x3a: {  	[spmem:s2] =	stream.indirect.scatter.add.f32 [tilespmem:s17], [sflag:$0x1], $0x8, s3, s18, $0xb8;
	[tilespmem:$0x1C88] =	vst v63  }
0x3b: {  	_ =	swait.ge [sflag:s21], $0x400  }
0x3c: {  	[sflag:s21] =	ssyncset.done $0x0  }
0x3d: {  	s30 =	sadd.s32 $0x0, s14;
	[sflag:s21] =	ssyncadd.s32 $0xFFFFFC00  }
0x3e: {  	[tilespmem:s18], [sflag:$0x3] =	stream.linear.gather [hbm4b:s30+s3], $0x80, $0x38;
	[tilespmem:$0x1C88] =	vst v63  }
0x3f: {  	_ =	swait.ge [sflag:s16], $0x80  }
0x40: {  	[sflag:s16] =	ssyncset.done $0x0  }
0x41: {  	s31 =	sadd.s32 $0x80, s12;
	[sflag:s16] =	ssyncadd.s32 $0xFFFFFF80  }
0x42: {  	[tilespmem:s19], [sflag:$0x3] =	stream.linear.gather [hbm4b:s31+s3], $0x400, $0x38;
	[tilespmem:$0x1C88] =	vst v63  }
0x43: {  	_ =	swait.ge [sflag:s16], $0x400  }
0x44: {  	[sflag:s16] =	ssyncset.done $0x0  }
0x45: {  	s24 =	sadd.s32 $0x100, s12;
	s23 =	simm.s32 $0x20;
	[sflag:s16] =	ssyncadd.s32 $0xFFFFFC00  }
.LBB2_2:
0x46: {  	[spmem:s2] =	stream.indirect.scatter.add.f32 [tilespmem:s19], [sflag:$0x2], $0x8, s18, s18, $0xb8;
	[tilespmem:$0x1C88] =	vst v63  }
0x47: {  	s25 =	smov.u32 s23  }
0x48: {  	p0 =	sne.s32 s23, $0x240;
	s23 =	sadd.s32 $0x20, s23;
	_ =	swait.ge [sflag:s20], $0x400  }
0x49: {  	[sflag:s20] =	ssyncset.done $0x0  }
0x4a: {  	s26 =	sadd.s32 s25, s13;
	[sflag:s20] =	ssyncadd.s32 $0xFFFFFC00  }
0x4b: {  	[tilespmem:s3], [sflag:$0x3] =	stream.linear.gather [hbm4b:s26+s3], $0x80, $0x38;
	[tilespmem:$0x1C88] =	vst v63  }
0x4c: {  	_ =	swait.ge [sflag:s16], $0x80  }
0x4d: {  	[sflag:s16] =	ssyncset.done $0x0  }
0x4e: {  	[sflag:s16] =	ssyncadd.s32 $0xFFFFFF80  }
0x4f: {  	[tilespmem:s17], [sflag:$0x3] =	stream.linear.gather [hbm4b:s24+s3], $0x400, $0x38;
	[tilespmem:$0x1C88] =	vst v63  }
0x50: {  	_ =	swait.ge [sflag:s16], $0x400  }
0x51: {  	[sflag:s16] =	ssyncset.done $0x0  }
0x52: {  	[sflag:s16] =	ssyncadd.s32 $0xFFFFFC00  }
0x53: {  	[spmem:s2] =	stream.indirect.scatter.add.f32 [tilespmem:s17], [sflag:$0x1], $0x8, s3, s18, $0xb8;
	[tilespmem:$0x1C88] =	vst v63  }
0x54: {  	_ =	swait.ge [sflag:s21], $0x400  }
0x55: {  	[sflag:s21] =	ssyncset.done $0x0  }
0x56: {  	s25 =	sadd.s32 s25, s14;
	[sflag:s21] =	ssyncadd.s32 $0xFFFFFC00  }
0x57: {  	[tilespmem:s18], [sflag:$0x3] =	stream.linear.gather [hbm4b:s25+s3], $0x80, $0x38;
	[tilespmem:$0x1C88] =	vst v63  }
0x58: {  	_ =	swait.ge [sflag:s16], $0x80  }
0x59: {  	[sflag:s16] =	ssyncset.done $0x0  }
.Ltmp0:
0x5a: {  	s25 =	sadd.s32 $0x80, s24;
	[sflag:s16] =	ssyncadd.s32 $0xFFFFFF80;
	(pc) =	sbr.rel @p0 .LBB2_2-.Ltmp0, $4  }
0x5b: {  	[tilespmem:s19], [sflag:$0x3] =	stream.linear.gather [hbm4b:s25+s3], $0x400, $0x38;
	[tilespmem:$0x1C88] =	vst v63  }
0x5c: {  	_ =	swait.ge [sflag:s16], $0x400  }
0x5d: {  	[sflag:s16] =	ssyncset.done $0x0  }
0x5e: {  	s24 =	sadd.s32 $0x100, s24;
	[sflag:s16] =	ssyncadd.s32 $0xFFFFFC00  }
0x5f: {  	[spmem:s2] =	stream.indirect.scatter.add.f32 [tilespmem:s19], [sflag:$0x2], $0x8, s18, s18, $0xb8;
	[tilespmem:$0x1C88] =	vst v63  }
0x60: {  	_ =	swait.ge [sflag:s20], $0x400  }
0x61: {  	[sflag:s20] =	ssyncset.done $0x0  }
0x62: {  	[sflag:s20] =	ssyncadd.s32 $0xFFFFFC00  }
0x63: {  	_ =	swait.ge [sflag:s21], $0x400  }
0x64: {  	s22 =	sadd.s32 $0x1, s22;
	[sflag:s21] =	ssyncset.done $0x0  }
0x65: {  	p0 =	sne.s32 s22, s7;
	[sflag:s21] =	ssyncadd.s32 $0xFFFFFC00  }
.Ltmp1:
0x66: {  	[bflag:$0x0] =	sbarrier.arrive $0xFFFF;
	(pc) =	sbr.rel @p0 .LBB2_1-.Ltmp1, $4  }
0x67: {  	[hbm:s6], [sflag:s5] =	dma.local [spmem:s15], $0x271  }
0x68: {  	_ =	swait.ge [sflag:s16], $0x271  }
0x69: {  	[sflag:s16] =	ssyncset.done $0x0  }
0x6a: {  	[sflag:s16] =	ssyncadd.s32 $0xFFFFFD8F  }
0x6b: {  	_ =	sfence.sel $0x180000  }
0x6c: {  	[bflag:$0x0] =	sbarrier.arrive $0xFFFF  }
0x6d: {  	p0 =	sne.s32 s1, $0x0;
	_ =	strace $0x90000047  }
0x6e: {  	s0 =	sadd.s32 @!p0 $0x100000, s0;
	[bflag:$0x2] =	sbarrier.arrive $0xFFFF  }
0x6f: {  	[sflag:s0] =	ssyncadd.tile.s32 @!p0 $0x1;
	_ =	shalt  }
.Lfunc_end2:
_tile_overlayer_lowered:
.L_overlay_start_2:
0x70: {  	(tag) =	ssettag $0x2  }
0x71: {  	s0 =	rddreg [dreg:$0x0];
	s2 =	stileid.u32  }
0x72: {  	s1 =	rddreg [dreg:$0x1];
	p0 =	sne.s32 s2, $0x0  }
0x73: {  	s3 =	rddreg [dreg:$0x2];
	[bflag:$0x3] =	sbarrier.arrive $0xFFFF;
	s2 =	simm.s32 @!p0 $0x1C03  }
0x74: {  	[timem:s3], [sflag:s2] =	dma.local @!p0 [hbm:s0], s1  }
0x75: {  	s0 =	simm.s32 @!p0 $0x3  }
0x76: {  	_ =	swait.ge @!p0 [sflag:s0], s1  }
0x77: {  	s1 =	ssub.s32 @!p0 $0x0, s1;
	[sflag:s0] =	ssyncset.done @!p0 $0x0  }
0x78: {  	[sflag:s0] =	ssyncadd.s32 @!p0 s1  }
0x79: {  	[bflag:$0x3] =	sbarrier.arrive $0xFFFF  }
0x7a: {  	_ =	shalt  }

</sc_bundles>
